<compile_context>
chip_gen: v7x
topology: tpu7x:2x2x1
jax: 0.10.2.dev20260603
libtpu: 0.0.44.dev20260713+nightly
codegen_flags: <defaults>
</compile_context>

<pallas_src>
import functools

import jax
import jax.numpy as jnp
from jax import lax
from jax.experimental import pallas as pl
from jax.experimental.pallas import tpu as pltpu
from jax.experimental.pallas import tpu_sc as plsc

D = 768
NW = 32


@functools.lru_cache(maxsize=None)
def _build(batch: int, seqlen: int):
    b_per_w = batch // NW
    assert batch % NW == 0 and b_per_w % 8 == 0

    mesh = plsc.VectorSubcoreMesh(core_axis_name="c", subcore_axis_name="s")

    n_main = seqlen - (seqlen % 2)

    @functools.partial(
        pl.kernel,
        mesh=mesh,
        out_type=jax.ShapeDtypeStruct((seqlen, batch, D), jnp.float32),
        compiler_params=pltpu.CompilerParams(use_tc_tiling_on_sc=True),
        scratch_types=[
            pltpu.VMEM((seqlen * b_per_w,), jnp.int32),
            pltpu.VMEM((b_per_w, D), jnp.float32),
            pltpu.VMEM((b_per_w, D), jnp.float32),
            pltpu.SemaphoreType.DMA,
            pltpu.SemaphoreType.DMA,
        ],
    )
    def gather_kernel(ids_hbm, table_hbm, out_hbm, idx_v, buf0, buf1, sem0, sem1):
        wid = lax.axis_index("s") * 2 + lax.axis_index("c")
        pltpu.sync_copy(
            ids_hbm.at[pl.ds(wid * seqlen * b_per_w, seqlen * b_per_w)], idx_v
        )

        bufs = (buf0, buf1)
        sems = (sem0, sem1)

        def gather(s, b):
            pltpu.async_copy(
                table_hbm.at[idx_v.at[pl.ds(s * b_per_w, b_per_w)]],
                bufs[b],
                sems[b],
            )

        def wait(b):
            pltpu.make_async_copy(
                table_hbm.at[idx_v.at[pl.ds(0, b_per_w)]], bufs[b], sems[b]
            ).wait()

        def write(s, b):
            pltpu.sync_copy(bufs[b], out_hbm.at[s, pl.ds(wid * b_per_w, b_per_w)])

        gather(0, 0)
        gather(1, 1)

        @pl.loop(0, n_main, step=2)
        def _(s):
            for b in range(2):
                sg = s + b
                wait(b)
                write(sg, b)

                @pl.when(sg + 2 < seqlen)
                def _():
                    gather(sg + 2, b)

        if n_main < seqlen:
            wait(0)
            write(seqlen - 1, 0)

    return gather_kernel


def kernel(input_ids, token_embedding):
    b, s = input_ids.shape
    ids = (
        input_ids.astype(jnp.int32)
        .reshape(NW, b // NW, s)
        .transpose(0, 2, 1)
        .reshape(-1)
    )
    out = _build(b, s)(ids, token_embedding)
    return out.transpose(1, 0, 2)

# --- scband reference (transcript-rebuilt; emitter-appended) ---
"""Pipeline reference for scband-text-encoder-21680994910646 (READ-ONLY COPY).

The authoritative reference and input builder live on the scoring server;
editing this copy changes nothing except your own understanding.
"""

import jax, jax.numpy as jnp
import numpy as np

VOCAB_SIZE = 49408
EMBED_DIM = 768
BATCH = 1024
MAX_LEN = 77

def setup_inputs(seed: int = 0) -> dict:
    key = jax.random.key(seed)
    k_ids, k_tab = jax.random.split(key)
    input_ids = jax.random.randint(k_ids, (BATCH, MAX_LEN), 0, VOCAB_SIZE, dtype=jnp.int64 if jax.config.jax_enable_x64 else jnp.int32)
    token_embedding = jax.random.normal(k_tab, (VOCAB_SIZE, EMBED_DIM), dtype=jnp.float32) * 0.02
    return {"input_ids": input_ids, "token_embedding": token_embedding}

def reference(input_ids, token_embedding):
    # Token embedding lookup (the core op of TextEncoder.encode_prompt).
    # Original placeholder returned zeros_like(embeddings); we return the
    # actual embedding gather so the lookup is the measured computation.
    embeddings = jnp.take(token_embedding, input_ids, axis=0)
    return embeddings

if __name__ == "__main__":
    import jax
    _d = setup_inputs()
    print(jax.jit(kernel)(*tuple(_d.values())))

</pallas_src>

<mosaic_0001>
#map = affine_map<(d0, d1) -> (0)>
#map1 = affine_map<(d0, d1) -> (0, 0)>
#map2 = affine_map<(d0, d1) -> (0, 0, 0)>
module attributes {stable_mosaic.version = 14 : i64} {
  func.func @gather_kernel(%arg0: i32, %arg1: i32, %arg2: memref<78848xi32, #tpu.memory_space<hbm>>, %arg3: memref<49408x768xf32, #tpu.memory_space<hbm>>, %arg4: memref<77x1024x768xf32, #tpu.memory_space<hbm>>, %arg5: memref<2464xi32, #tpu.memory_space<vmem>>, %arg6: memref<32x768xf32, #tpu.memory_space<vmem>>, %arg7: memref<32x768xf32, #tpu.memory_space<vmem>>, %arg8: memref<!tpu.dma_semaphore, #tpu.memory_space<semaphore_mem>>, %arg9: memref<!tpu.dma_semaphore, #tpu.memory_space<semaphore_mem>>) attributes {dimension_semantics = [#tpu.dimension_semantics<core_parallel>, #tpu.dimension_semantics<subcore_parallel>], iteration_bounds = array<i64: 2, 16>, scalar_prefetch = 0 : i64, scratch_operands = 5 : i64, tpu.core_type = #tpu.core_type<sc_vector_subcore>, window_params = [{transform_indices = #map}, {transform_indices = #map1}, {transform_indices = #map2}]} {
    %mul3A = arith.constant 2 : i32
    %mul3A_0 = arith.muli %arg1, %mul3A : i32
    %add3A = arith.addi %mul3A_0, %arg0 : i32
    %mul3A_1 = arith.constant 77 : i32
    %mul3A_2 = arith.muli %add3A, %mul3A_1 : i32
    %mul3A_3 = arith.constant 32 : i32
    %mul3A_4 = arith.muli %mul3A_2, %mul3A_3 : i32
    "tpu.region"() ({
      %run_scoped3A_24 = tpu.sem_alloc : memref<!tpu.dma_semaphore, #tpu.memory_space<semaphore_mem>>
      %dma_start3A_25 = tpu.memref_slice %arg2[%mul3A_4] : memref<78848xi32, #tpu.memory_space<hbm>> -> memref<2464xi32, #tpu.memory_space<hbm>>
      %dma_start3A_26 = tpu.memref_slice %arg2[%mul3A_4] : memref<78848xi32, #tpu.memory_space<hbm>> -> memref<2464xi32, #tpu.memory_space<hbm>>
      tpu.enqueue_dma source(%dma_start3A_26 : memref<2464xi32, #tpu.memory_space<hbm>>) target(%arg5 : memref<2464xi32, #tpu.memory_space<vmem>>) target_semaphore(%run_scoped3A_24 : memref<!tpu.dma_semaphore, #tpu.memory_space<semaphore_mem>>)
      %dma_wait3A_27 = tpu.memref_slice %arg2[%mul3A_4] : memref<78848xi32, #tpu.memory_space<hbm>> -> memref<2464xi32, #tpu.memory_space<hbm>>
      %dma_wait3A_28 = tpu.memref_slice %arg2[%mul3A_4] : memref<78848xi32, #tpu.memory_space<hbm>> -> memref<2464xi32, #tpu.memory_space<hbm>>
      tpu.wait_dma2 semaphore(%run_scoped3A_24 : memref<!tpu.dma_semaphore, #tpu.memory_space<semaphore_mem>>) src(%dma_wait3A_28 : memref<2464xi32, #tpu.memory_space<hbm>>) dst(%arg5 : memref<2464xi32, #tpu.memory_space<vmem>>)
      tpu.yield
    }) : () -> ()
    %dma_start3A = arith.constant 0 : i32
    %dma_start3A_5 = tpu.memref_slice %arg5[%dma_start3A] : memref<2464xi32, #tpu.memory_space<vmem>> -> memref<32xi32, #tpu.memory_space<vmem>>
    %dma_start3A_6 = arith.constant 0 : i32
    %dma_start3A_7 = arith.constant 0 : i32
    %dma_start3A_8 = tpu.memref_slice %arg3[%dma_start3A_6, %dma_start3A_7] : memref<49408x768xf32, #tpu.memory_space<hbm>> -> memref<49408x768xf32, #tpu.memory_space<hbm>>
    tpu.enqueue_indirect_dma source(%dma_start3A_8 : memref<49408x768xf32, #tpu.memory_space<hbm>>) target(%arg6 : memref<32x768xf32, #tpu.memory_space<vmem>>) offsets(%dma_start3A_5 : memref<32xi32, #tpu.memory_space<vmem>>) semaphore(%arg8 : memref<!tpu.dma_semaphore, #tpu.memory_space<semaphore_mem>>)
    %dma_start3A_9 = arith.constant 32 : i32
    %dma_start3A_10 = tpu.memref_slice %arg5[%dma_start3A_9] : memref<2464xi32, #tpu.memory_space<vmem>> -> memref<32xi32, #tpu.memory_space<vmem>>
    %dma_start3A_11 = arith.constant 0 : i32
    %dma_start3A_12 = arith.constant 0 : i32
    %dma_start3A_13 = tpu.memref_slice %arg3[%dma_start3A_11, %dma_start3A_12] : memref<49408x768xf32, #tpu.memory_space<hbm>> -> memref<49408x768xf32, #tpu.memory_space<hbm>>
    tpu.enqueue_indirect_dma source(%dma_start3A_13 : memref<49408x768xf32, #tpu.memory_space<hbm>>) target(%arg7 : memref<32x768xf32, #tpu.memory_space<vmem>>) offsets(%dma_start3A_10 : memref<32xi32, #tpu.memory_space<vmem>>) semaphore(%arg9 : memref<!tpu.dma_semaphore, #tpu.memory_space<semaphore_mem>>)
    %scan3A = arith.constant 0 : i32
    %scan3A_14 = arith.constant 38 : i32
    %scan3A_15 = arith.addi %scan3A, %scan3A_14 : i32
    %scan3A_16 = arith.constant 1 : i32
    scf.for %scan3A_24 = %scan3A to %scan3A_15 step %scan3A_16  : i32 {
      %mul3A_25 = arith.constant 2 : i32
      %mul3A_26 = arith.muli %scan3A_24, %mul3A_25 : i32
      %add3A_27 = arith.constant 0 : i32
      %add3A_28 = arith.addi %add3A_27, %mul3A_26 : i32
      %add3A_29 = arith.constant 0 : i32
      %add3A_30 = arith.addi %add3A_28, %add3A_29 : i32
      %dma_wait3A_31 = arith.constant 0 : i32
      %dma_wait3A_32 = tpu.memref_slice %arg5[%dma_wait3A_31] : memref<2464xi32, #tpu.memory_space<vmem>> -> memref<32xi32, #tpu.memory_space<vmem>>
      %dma_wait3A_33 = arith.constant 0 : i32
      %dma_wait3A_34 = arith.constant 0 : i32
      %dma_wait3A_35 = tpu.memref_slice %arg3[%dma_wait3A_33, %dma_wait3A_34] : memref<49408x768xf32, #tpu.memory_space<hbm>> -> memref<49408x768xf32, #tpu.memory_space<hbm>>
      tpu.wait_indirect_dma semaphore(%arg8 : memref<!tpu.dma_semaphore, #tpu.memory_space<semaphore_mem>>) src(%dma_wait3A_35 : memref<49408x768xf32, #tpu.memory_space<hbm>>) dst(%arg6 : memref<32x768xf32, #tpu.memory_space<vmem>>)
      %mul3A_36 = arith.constant 32 : i32
      %mul3A_37 = arith.muli %add3A, %mul3A_36 : i32
      "tpu.region"() ({
        %run_scoped3A_58 = tpu.sem_alloc : memref<!tpu.dma_semaphore, #tpu.memory_space<semaphore_mem>>
        %dma_start3A_59 = arith.constant 0 : i32
        %dma_start3A_60 = tpu.memref_slice %arg4[%add3A_30, %mul3A_37, %dma_start3A_59] : memref<77x1024x768xf32, #tpu.memory_space<hbm>> -> memref<1x32x768xf32, #tpu.memory_space<hbm>>
        %dma_start3A_61 = tpu.memref_squeeze %dma_start3A_60 : memref<1x32x768xf32, #tpu.memory_space<hbm>> -> memref<32x768xf32, #tpu.memory_space<hbm>>
        %dma_start3A_62 = arith.constant 0 : i32
        %dma_start3A_63 = tpu.memref_slice %arg4[%add3A_30, %mul3A_37, %dma_start3A_62] : memref<77x1024x768xf32, #tpu.memory_space<hbm>> -> memref<1x32x768xf32, #tpu.memory_space<hbm>>
        %dma_start3A_64 = tpu.memref_squeeze %dma_start3A_63 : memref<1x32x768xf32, #tpu.memory_space<hbm>> -> memref<32x768xf32, #tpu.memory_space<hbm>>
        tpu.enqueue_dma source(%arg6 : memref<32x768xf32, #tpu.memory_space<vmem>>) target(%dma_start3A_64 : memref<32x768xf32, #tpu.memory_space<hbm>>) target_semaphore(%run_scoped3A_58 : memref<!tpu.dma_semaphore, #tpu.memory_space<semaphore_mem>>)
        %dma_wait3A_65 = arith.constant 0 : i32
        %dma_wait3A_66 = tpu.memref_slice %arg4[%add3A_30, %mul3A_37, %dma_wait3A_65] : memref<77x1024x768xf32, #tpu.memory_space<hbm>> -> memref<1x32x768xf32, #tpu.memory_space<hbm>>
        %dma_wait3A_67 = tpu.memref_squeeze %dma_wait3A_66 : memref<1x32x768xf32, #tpu.memory_space<hbm>> -> memref<32x768xf32, #tpu.memory_space<hbm>>
        %dma_wait3A_68 = arith.constant 0 : i32
        %dma_wait3A_69 = tpu.memref_slice %arg4[%add3A_30, %mul3A_37, %dma_wait3A_68] : memref<77x1024x768xf32, #tpu.memory_space<hbm>> -> memref<1x32x768xf32, #tpu.memory_space<hbm>>
        %dma_wait3A_70 = tpu.memref_squeeze %dma_wait3A_69 : memref<1x32x768xf32, #tpu.memory_space<hbm>> -> memref<32x768xf32, #tpu.memory_space<hbm>>
        tpu.wait_dma2 semaphore(%run_scoped3A_58 : memref<!tpu.dma_semaphore, #tpu.memory_space<semaphore_mem>>) src(%arg6 : memref<32x768xf32, #tpu.memory_space<vmem>>) dst(%dma_wait3A_70 : memref<32x768xf32, #tpu.memory_space<hbm>>)
        tpu.yield
      }) : () -> ()
      %add3A_38 = arith.constant 2 : i32
      %add3A_39 = arith.addi %add3A_30, %add3A_38 : i32
      %lt3A = arith.constant 77 : i32
      %lt3A_40 = arith.cmpi slt, %add3A_39, %lt3A : i32
      %convert_element_type3A = arith.extui %lt3A_40 : i1 to i32
      %cond3A = arith.constant 0 : i32
      %cond3A_41 = arith.cmpi ne, %convert_element_type3A, %cond3A : i32
      scf.if %cond3A_41 {
        %add3A_58 = arith.constant 2 : i32
        %add3A_59 = arith.addi %add3A_30, %add3A_58 : i32
        %mul3A_60 = arith.constant 32 : i32
        %mul3A_61 = arith.muli %add3A_59, %mul3A_60 : i32
        %dma_start3A_62 = tpu.memref_slice %arg5[%mul3A_61] : memref<2464xi32, #tpu.memory_space<vmem>> -> memref<32xi32, #tpu.memory_space<vmem>>
        %dma_start3A_63 = arith.constant 0 : i32
        %dma_start3A_64 = arith.constant 0 : i32
        %dma_start3A_65 = tpu.memref_slice %arg3[%dma_start3A_63, %dma_start3A_64] : memref<49408x768xf32, #tpu.memory_space<hbm>> -> memref<49408x768xf32, #tpu.memory_space<hbm>>
        tpu.enqueue_indirect_dma source(%dma_start3A_65 : memref<49408x768xf32, #tpu.memory_space<hbm>>) target(%arg6 : memref<32x768xf32, #tpu.memory_space<vmem>>) offsets(%dma_start3A_62 : memref<32xi32, #tpu.memory_space<vmem>>) semaphore(%arg8 : memref<!tpu.dma_semaphore, #tpu.memory_space<semaphore_mem>>)
      } else {
      }
      %add3A_42 = arith.constant 1 : i32
      %add3A_43 = arith.addi %add3A_28, %add3A_42 : i32
      %dma_wait3A_44 = arith.constant 0 : i32
      %dma_wait3A_45 = tpu.memref_slice %arg5[%dma_wait3A_44] : memref<2464xi32, #tpu.memory_space<vmem>> -> memref<32xi32, #tpu.memory_space<vmem>>
      %dma_wait3A_46 = arith.constant 0 : i32
      %dma_wait3A_47 = arith.constant 0 : i32
      %dma_wait3A_48 = tpu.memref_slice %arg3[%dma_wait3A_46, %dma_wait3A_47] : memref<49408x768xf32, #tpu.memory_space<hbm>> -> memref<49408x768xf32, #tpu.memory_space<hbm>>
      tpu.wait_indirect_dma semaphore(%arg9 : memref<!tpu.dma_semaphore, #tpu.memory_space<semaphore_mem>>) src(%dma_wait3A_48 : memref<49408x768xf32, #tpu.memory_space<hbm>>) dst(%arg7 : memref<32x768xf32, #tpu.memory_space<vmem>>)
      %mul3A_49 = arith.constant 32 : i32
      %mul3A_50 = arith.muli %add3A, %mul3A_49 : i32
      "tpu.region"() ({
        %run_scoped3A_58 = tpu.sem_alloc : memref<!tpu.dma_semaphore, #tpu.memory_space<semaphore_mem>>
        %dma_start3A_59 = arith.constant 0 : i32
        %dma_start3A_60 = tpu.memref_slice %arg4[%add3A_43, %mul3A_50, %dma_start3A_59] : memref<77x1024x768xf32, #tpu.memory_space<hbm>> -> memref<1x32x768xf32, #tpu.memory_space<hbm>>
        %dma_start3A_61 = tpu.memref_squeeze %dma_start3A_60 : memref<1x32x768xf32, #tpu.memory_space<hbm>> -> memref<32x768xf32, #tpu.memory_space<hbm>>
        %dma_start3A_62 = arith.constant 0 : i32
        %dma_start3A_63 = tpu.memref_slice %arg4[%add3A_43, %mul3A_50, %dma_start3A_62] : memref<77x1024x768xf32, #tpu.memory_space<hbm>> -> memref<1x32x768xf32, #tpu.memory_space<hbm>>
        %dma_start3A_64 = tpu.memref_squeeze %dma_start3A_63 : memref<1x32x768xf32, #tpu.memory_space<hbm>> -> memref<32x768xf32, #tpu.memory_space<hbm>>
        tpu.enqueue_dma source(%arg7 : memref<32x768xf32, #tpu.memory_space<vmem>>) target(%dma_start3A_64 : memref<32x768xf32, #tpu.memory_space<hbm>>) target_semaphore(%run_scoped3A_58 : memref<!tpu.dma_semaphore, #tpu.memory_space<semaphore_mem>>)
        %dma_wait3A_65 = arith.constant 0 : i32
        %dma_wait3A_66 = tpu.memref_slice %arg4[%add3A_43, %mul3A_50, %dma_wait3A_65] : memref<77x1024x768xf32, #tpu.memory_space<hbm>> -> memref<1x32x768xf32, #tpu.memory_space<hbm>>
        %dma_wait3A_67 = tpu.memref_squeeze %dma_wait3A_66 : memref<1x32x768xf32, #tpu.memory_space<hbm>> -> memref<32x768xf32, #tpu.memory_space<hbm>>
        %dma_wait3A_68 = arith.constant 0 : i32
        %dma_wait3A_69 = tpu.memref_slice %arg4[%add3A_43, %mul3A_50, %dma_wait3A_68] : memref<77x1024x768xf32, #tpu.memory_space<hbm>> -> memref<1x32x768xf32, #tpu.memory_space<hbm>>
        %dma_wait3A_70 = tpu.memref_squeeze %dma_wait3A_69 : memref<1x32x768xf32, #tpu.memory_space<hbm>> -> memref<32x768xf32, #tpu.memory_space<hbm>>
        tpu.wait_dma2 semaphore(%run_scoped3A_58 : memref<!tpu.dma_semaphore, #tpu.memory_space<semaphore_mem>>) src(%arg7 : memref<32x768xf32, #tpu.memory_space<vmem>>) dst(%dma_wait3A_70 : memref<32x768xf32, #tpu.memory_space<hbm>>)
        tpu.yield
      }) : () -> ()
      %add3A_51 = arith.constant 2 : i32
      %add3A_52 = arith.addi %add3A_43, %add3A_51 : i32
      %lt3A_53 = arith.constant 77 : i32
      %lt3A_54 = arith.cmpi slt, %add3A_52, %lt3A_53 : i32
      %convert_element_type3A_55 = arith.extui %lt3A_54 : i1 to i32
      %cond3A_56 = arith.constant 0 : i32
      %cond3A_57 = arith.cmpi ne, %convert_element_type3A_55, %cond3A_56 : i32
      scf.if %cond3A_57 {
        %add3A_58 = arith.constant 2 : i32
        %add3A_59 = arith.addi %add3A_43, %add3A_58 : i32
        %mul3A_60 = arith.constant 32 : i32
        %mul3A_61 = arith.muli %add3A_59, %mul3A_60 : i32
        %dma_start3A_62 = tpu.memref_slice %arg5[%mul3A_61] : memref<2464xi32, #tpu.memory_space<vmem>> -> memref<32xi32, #tpu.memory_space<vmem>>
        %dma_start3A_63 = arith.constant 0 : i32
        %dma_start3A_64 = arith.constant 0 : i32
        %dma_start3A_65 = tpu.memref_slice %arg3[%dma_start3A_63, %dma_start3A_64] : memref<49408x768xf32, #tpu.memory_space<hbm>> -> memref<49408x768xf32, #tpu.memory_space<hbm>>
        tpu.enqueue_indirect_dma source(%dma_start3A_65 : memref<49408x768xf32, #tpu.memory_space<hbm>>) target(%arg7 : memref<32x768xf32, #tpu.memory_space<vmem>>) offsets(%dma_start3A_62 : memref<32xi32, #tpu.memory_space<vmem>>) semaphore(%arg9 : memref<!tpu.dma_semaphore, #tpu.memory_space<semaphore_mem>>)
      } else {
      }
    }
    %scan3A_17 = arith.constant 38 : i32
    %dma_wait3A = arith.constant 0 : i32
    %dma_wait3A_18 = tpu.memref_slice %arg5[%dma_wait3A] : memref<2464xi32, #tpu.memory_space<vmem>> -> memref<32xi32, #tpu.memory_space<vmem>>
    %dma_wait3A_19 = arith.constant 0 : i32
    %dma_wait3A_20 = arith.constant 0 : i32
    %dma_wait3A_21 = tpu.memref_slice %arg3[%dma_wait3A_19, %dma_wait3A_20] : memref<49408x768xf32, #tpu.memory_space<hbm>> -> memref<49408x768xf32, #tpu.memory_space<hbm>>
    tpu.wait_indirect_dma semaphore(%arg8 : memref<!tpu.dma_semaphore, #tpu.memory_space<semaphore_mem>>) src(%dma_wait3A_21 : memref<49408x768xf32, #tpu.memory_space<hbm>>) dst(%arg6 : memref<32x768xf32, #tpu.memory_space<vmem>>)
    %mul3A_22 = arith.constant 32 : i32
    %mul3A_23 = arith.muli %add3A, %mul3A_22 : i32
    %run_scoped3A = arith.constant 76 : i32
    "tpu.region"() ({
      %run_scoped3A_24 = tpu.sem_alloc : memref<!tpu.dma_semaphore, #tpu.memory_space<semaphore_mem>>
      %dma_start3A_25 = arith.constant 0 : i32
      %dma_start3A_26 = tpu.memref_slice %arg4[%run_scoped3A, %mul3A_23, %dma_start3A_25] : memref<77x1024x768xf32, #tpu.memory_space<hbm>> -> memref<1x32x768xf32, #tpu.memory_space<hbm>>
      %dma_start3A_27 = tpu.memref_squeeze %dma_start3A_26 : memref<1x32x768xf32, #tpu.memory_space<hbm>> -> memref<32x768xf32, #tpu.memory_space<hbm>>
      %dma_start3A_28 = arith.constant 0 : i32
      %dma_start3A_29 = tpu.memref_slice %arg4[%run_scoped3A, %mul3A_23, %dma_start3A_28] : memref<77x1024x768xf32, #tpu.memory_space<hbm>> -> memref<1x32x768xf32, #tpu.memory_space<hbm>>
      %dma_start3A_30 = tpu.memref_squeeze %dma_start3A_29 : memref<1x32x768xf32, #tpu.memory_space<hbm>> -> memref<32x768xf32, #tpu.memory_space<hbm>>
      tpu.enqueue_dma source(%arg6 : memref<32x768xf32, #tpu.memory_space<vmem>>) target(%dma_start3A_30 : memref<32x768xf32, #tpu.memory_space<hbm>>) target_semaphore(%run_scoped3A_24 : memref<!tpu.dma_semaphore, #tpu.memory_space<semaphore_mem>>)
      %dma_wait3A_31 = arith.constant 0 : i32
      %dma_wait3A_32 = tpu.memref_slice %arg4[%run_scoped3A, %mul3A_23, %dma_wait3A_31] : memref<77x1024x768xf32, #tpu.memory_space<hbm>> -> memref<1x32x768xf32, #tpu.memory_space<hbm>>
      %dma_wait3A_33 = tpu.memref_squeeze %dma_wait3A_32 : memref<1x32x768xf32, #tpu.memory_space<hbm>> -> memref<32x768xf32, #tpu.memory_space<hbm>>
      %dma_wait3A_34 = arith.constant 0 : i32
      %dma_wait3A_35 = tpu.memref_slice %arg4[%run_scoped3A, %mul3A_23, %dma_wait3A_34] : memref<77x1024x768xf32, #tpu.memory_space<hbm>> -> memref<1x32x768xf32, #tpu.memory_space<hbm>>
      %dma_wait3A_36 = tpu.memref_squeeze %dma_wait3A_35 : memref<1x32x768xf32, #tpu.memory_space<hbm>> -> memref<32x768xf32, #tpu.memory_space<hbm>>
      tpu.wait_dma2 semaphore(%run_scoped3A_24 : memref<!tpu.dma_semaphore, #tpu.memory_space<semaphore_mem>>) src(%arg6 : memref<32x768xf32, #tpu.memory_space<vmem>>) dst(%dma_wait3A_36 : memref<32x768xf32, #tpu.memory_space<hbm>>)
      tpu.yield
    }) : () -> ()
    return
  }
}

</mosaic_0001>

<sc_bundles>
// kernel: kernel.3.cloned.1.call-start
scs
__scs_entry_jumppad:
0x0: {  	(pc) =	sbr.rel $0x88, $3  }
0x1: {  	(tag) =	ssettag $0x0;
	lr =	simm.s32 $0x1  }
0x2: {  	[smem:$0x3F9F] =	sst lr;
	_ =	strace $0xD0000000  }
0x3: {  	_ = 	snop  }
0x4: {  	_ = 	snop  }
0x5: {  	_ = 	snop  }
0x6: {  	_ = 	snop  }
0x7: {  	_ = 	snop  }
__scs_overlays_trampoline_lowered:
0x8: {  	[smem:$0x3FAE] =	sst s0  }
0x9: {  	[smem:$0x3FAF] =	sst s1  }
0xa: {  	[smem:$0x3FB0] =	sst s2  }
0xb: {  	[smem:$0x3FB1] =	sst s3  }
0xc: {  	[smem:$0x3FB2] =	sst s4  }
0xd: {  	[smem:$0x3FB3] =	sst s5  }
0xe: {  	[smem:$0x3FB4] =	sst s6  }
0xf: {  	[smem:$0x3FB5] =	sst s7  }
0x10: {  	[smem:$0x3FB6] =	sst s8  }
0x11: {  	[smem:$0x3FB7] =	sst s9;
	s0 =	simm.s32 @!p0 $0x0  }
0x12: {  	s1 =	sld [smem:$0x3F9D];
	s0 =	simm.s32 @p0 $0x1  }
0x13: {  	[smem:$0x3FB8] =	sst s0;
	s0 =	simm.s32 @!p1 $0x0  }
0x14: {  	s2 =	sld [smem:$0x3F9C];
	s0 =	simm.s32 @p1 $0x1  }
0x15: {  	[smem:$0x3FB9] =	sst s0;
	s0 =	simm.s32 @!p2 $0x0  }
0x16: {  	s3 =	sld [smem:$0x3FDB];
	s0 =	simm.s32 @p2 $0x1  }
0x17: {  	s4 =	simm.s32 $0x1BF5;
	[smem:$0x3FBB] =	sst s0  }
0x18: {  	s0 =	sld [smem:$0x3F9E];
	_ =	swait.ge [sflag:s4], $0x0  }
0x19: {  	s7 =	sld [smem:$0x3F9F]  }
0x1a: {  	s8 =	sadd.s32 $0xFFFFE003, lr  }
0x1b: {  	s9 =	sadd.s32 $0xFFFFFEF7, lr;
	s5 =	simm.s32 $0xFFFFFFFF;
	p2 =	slt.u32 s8, $0xFFFFF086  }
0x1c: {  	p1 =	slt.u32 s9, $0xF7A;
	s5 =	simm.s32 @!p2 $0x0  }
0x1d: {  	s5 =	simm.s32 @p1 $0x1;
	p0 =	seq.s32 s7, s2  }
0x1e: {  	s7 =	smul.u32 @!p0 $0xF7A, s2;
	p2 =	seq.s32 @!p0 s5, $0x0  }
0x1f: {  	s9 =	smul.u32 $0xF7A, s1;
	s8 =	simm.s32 @!p0 $0x1BF5;
	p2 =	por !p2, p0  }
0x20: {  	[sflag:s8] =	ssyncset.s32 @!p0 $0xFFFFF086;
	s6 =	sadd.s32 @!p0 s3, s7;
	s7 =	simm.s32 @!p0 $0x108  }
0x21: {  	s3 =	sadd.s32 s3, s9;
	s6 =	sadd.s32 @!p0 $0x88, s6;
	s7 =	simm.s32 @p2 $0x1082  }
0x22: {  	[simem:s7], [sflag:s8] =	dma.local @!p0 [hbm:s6], $0xF7A  }
0x23: {  	s9 =	sor.u32 $0xD0000000, s2;
	s6 =	simm.s32 $0x108;
	_ =	swait.ge @!p0 [sflag:s8], $0x0  }
0x24: {  	s3 =	sadd.s32 $0x88, s3;
	s6 =	simm.s32 @!p1 $0x1082;
	[sflag:s4] =	ssyncset.s32 $0xFFFFF086  }
0x25: {  	[simem:s6], [sflag:s4] =	dma.local [hbm:s3], $0xF7A  }
0x26: {  	[smem:$0x3F9F] =	sst s1;
	(tag) =	ssettag s2;
	_ =	strace s9  }
0x27: {  	s1 =	sld [smem:$0x3FAF]  }
0x28: {  	s2 =	sld [smem:$0x3FB0]  }
0x29: {  	s4 =	sld [smem:$0x3FB2]  }
0x2a: {  	p0 =	seq.s32 s5, $0x0;
	s5 =	sld [smem:$0x3FB3]  }
0x2b: {  	s6 =	sld [smem:$0x3FB4]  }
0x2c: {  	s7 =	sld [smem:$0x3FB5]  }
0x2d: {  	s3 =	simm.s32 $0x108;
	s8 =	sld [smem:$0x3FB6]  }
0x2e: {  	s3 =	simm.s32 @!p0 $0x1082;
	s9 =	sld [smem:$0x3FB7]  }
0x2f: {  	lr =	sadd.s32 s0, s3;
	s0 =	sld [smem:$0x3FAE]  }
0x30: {  	s3 =	sld [smem:$0x3FB1]  }
0x31: {  	[smem:$0x3FBA] =	sst s10  }
0x32: {  	s10 =	sld [smem:$0x3FB8];
	_ =	sdelay $0x3  }
0x33: {  	p0 =	seq.s32 s10, $0x1;
	s10 =	sld [smem:$0x3FBA];
	_ =	sdelay $0x3  }
0x34: {  	[smem:$0x3FBA] =	sst s10  }
0x35: {  	s10 =	sld [smem:$0x3FB9];
	_ =	sdelay $0x3  }
0x36: {  	p1 =	seq.s32 s10, $0x1;
	s10 =	sld [smem:$0x3FBA];
	_ =	sdelay $0x3  }
0x37: {  	[smem:$0x3FBA] =	sst s10  }
0x38: {  	s10 =	sld [smem:$0x3FBB]  }
0x39: {  	_ = 	snop;
	(pc) =	sbr.ind lr, $3  }
0x3a: {  	_ = 	snop  }
0x3b: {  	_ = 	snop  }
0x3c: {  	p2 =	seq.s32 s10, $0x1;
	s10 =	sld [smem:$0x3FBA]  }
0x3d: {  	_ =	shalt  }
0x3e: {  	_ =	shalt  }
0x3f: {  	_ =	shalt  }
0x40: {  	_ =	shalt  }
0x41: {  	_ =	shalt  }
0x42: {  	_ =	shalt  }
0x43: {  	_ =	shalt  }
0x44: {  	_ =	shalt  }
0x45: {  	_ =	shalt  }
0x46: {  	_ =	shalt  }
0x47: {  	_ =	shalt  }
0x48: {  	_ =	shalt  }
0x49: {  	_ =	shalt  }
0x4a: {  	_ =	shalt  }
0x4b: {  	_ =	shalt  }
0x4c: {  	_ =	shalt  }
0x4d: {  	_ =	shalt  }
0x4e: {  	_ =	shalt  }
0x4f: {  	_ =	shalt  }
0x50: {  	_ =	shalt  }
0x51: {  	_ =	shalt  }
0x52: {  	_ =	shalt  }
0x53: {  	_ =	shalt  }
0x54: {  	_ =	shalt  }
0x55: {  	_ =	shalt  }
0x56: {  	_ =	shalt  }
0x57: {  	_ =	shalt  }
0x58: {  	_ =	shalt  }
0x59: {  	_ =	shalt  }
0x5a: {  	_ =	shalt  }
0x5b: {  	_ =	shalt  }
0x5c: {  	_ =	shalt  }
0x5d: {  	_ =	shalt  }
0x5e: {  	_ =	shalt  }
0x5f: {  	_ =	shalt  }
0x60: {  	_ =	shalt  }
0x61: {  	_ =	shalt  }
0x62: {  	_ =	shalt  }
0x63: {  	_ =	shalt  }
0x64: {  	_ =	shalt  }
0x65: {  	_ =	shalt  }
0x66: {  	_ =	shalt  }
0x67: {  	_ =	shalt  }
0x68: {  	_ =	shalt  }
0x69: {  	_ =	shalt  }
0x6a: {  	_ =	shalt  }
0x6b: {  	_ =	shalt  }
0x6c: {  	_ =	shalt  }
0x6d: {  	_ =	shalt  }
0x6e: {  	_ =	shalt  }
0x6f: {  	_ =	shalt  }
0x70: {  	_ =	shalt  }
0x71: {  	_ =	shalt  }
0x72: {  	_ =	shalt  }
0x73: {  	_ =	shalt  }
0x74: {  	_ =	shalt  }
0x75: {  	_ =	shalt  }
0x76: {  	_ =	shalt  }
0x77: {  	_ =	shalt  }
0x78: {  	_ =	shalt  }
0x79: {  	_ =	shalt  }
0x7a: {  	_ =	shalt  }
0x7b: {  	_ =	shalt  }
0x7c: {  	_ =	shalt  }
0x7d: {  	_ =	shalt  }
0x7e: {  	_ =	shalt  }
0x7f: {  	_ =	shalt  }
0x80: {  	_ =	shalt  }
0x81: {  	_ =	shalt  }
0x82: {  	_ =	shalt  }
0x83: {  	_ =	shalt  }
0x84: {  	_ =	shalt  }
0x85: {  	_ =	shalt  }
0x86: {  	_ =	shalt  }
0x87: {  	_ =	shalt  }
.Lfunc_end0:
.L_simem_size_0:
called_computation_lowered:
.L_overlay_start_0:
0x88: {  	s2 =	sld [smem:$0x3FD9]  }
0x89: {  	s3 =	sld [smem:$0x3FFE];
	_ =	sdelay $0x1  }
0x8a: {  	s1 =	srdreg.scid  }
0x8b: {  	s0 =	sand.u32 $0x1, s1  }
0x8c: {  	s17 =	sshll.u32 s0, $0xA;
	s2 =	sadd.s32 s3, s2  }
0x8d: {  	s2 =	sadd.s32 s2, s17  }
0x8e: {  	[smem:$0x3FC6] =	sst s2  }
0x8f: {  	_ = 	snop  }
0x90: {  	s2 =	sld [smem:$0x3FC8]  }
0x91: {  	s18 =	sld [smem:$0x3FD0];
	(tm) =	ssettm $0x1  }
0x92: {  	s4 =	sld [smem:$0x3FFB];
	_ =	sdelay $0x3  }
0x93: {  	_ =	strace s4  }
0x94: {  	s4 =	sld [smem:$0x3FFC];
	_ =	sdelay $0x3  }
0x95: {  	_ =	strace s4  }
0x96: {  	s4 =	sld [smem:$0x3FFD];
	_ =	sdelay $0x3  }
0x97: {  	_ =	strace s4  }
0x98: {  	_ =	strace $0x8FFFFFFF  }
0x99: {  	s19 =	sld [smem:$0x3FDB];
	_ =	sdelay $0x1  }
0x9a: {  	s5 =	simm.s32 $_scs_section_size  }
0x9b: {  	s6 =	simm.s32 $_size__tile_overlayer_lowered;
	s7 =	simm.s32 $_tile_overlayer_lowered  }
0x9c: {  	s22 =	simm.s32 $0x1BFF;
	s21 =	sshll.u32 s7, $0x1;
	s4 =	sadd.s32 s5, s19  }
0x9d: {  	s8 =	simm.s32 $0x0;
	s20 =	sshll.u32 s6, $0x1;
	s6 =	sadd.s32 s21, s4  }
0x9e: {  	[timem:s8], [sflag:s22] =	dma.local [hbm:s6], s20  }
0x9f: {  	_ =	swait.ge [sflag:s22], s20  }
0xa0: {  	s5 =	ssub.s32 $0x0, s20;
	[sflag:s22] =	ssyncset.done $0x0  }
0xa1: {  	[sflag:s22] =	ssyncadd.s32 s5;
	_ =	sdelay $0x1  }
0xa2: {  	s23 =	simm.s32 $0x1B8B  }
0xa3: {  	_ =	swait.ge [sflag:s23], $0x1  }
0xa4: {  	[sflag:s23] =	ssyncset.done $0x0  }
0xa5: {  	s25 =	simm.s32 $0x1B8E;
	s24 =	sld [smem:$0x3FFE];
	[sflag:s23] =	ssyncadd.s32 $0xFFFFFFFF  }
0xa6: {  	s26 =	simm.s32 $execute0_lowered;
	[smem:$0x3FD2] =	sst s25  }
0xa7: {  	s6 =	sshll.u32 s26, $0x1;
	_ =	strace $0x80000046;
	[dreg:$0x1] =	wrdreg $0xFFFFFFFF  }
0xa8: {  	s28 =	simm.s32 $_size_execute0_lowered;
	s4 =	sadd.s32 s4, s6;
	[dreg:$0x0] =	wrdreg $0x0  }
0xa9: {  	s6 =	sshll.u32 s28, $0x1;
	[dreg:$0x2] =	wrdreg s4  }
0xaa: {  	[dreg:$0x3] =	wrdreg s6  }
0xab: {  	[dreg:$0x4] =	wrdreg $0xC0  }
0xac: {  	_ =	task [dreg:s8], $0x5FFFF  }
0xad: {  	[dreg:$0x1] =	wrdreg $0xFFFFFFFF  }
0xae: {  	[dreg:$0x0] =	wrdreg $0x60  }
0xaf: {  	[dreg:$0x2] =	wrdreg s24  }
0xb0: {  	[dreg:$0x3] =	wrdreg s2  }
0xb1: {  	[dreg:$0x4] =	wrdreg s18  }
0xb2: {  	[dreg:$0x5] =	wrdreg $0x9  }
0xb3: {  	_ =	task.clear_ibuf [dreg:s8], $0x6FFFF;
	_ =	strace $0x90000046  }
0xb4: {  	s29 =	simm.s32 $0x9;
	_ =	strace $0x80000048  }
0xb5: {  	_ =	swait.ge [sflag:s29], $0x1  }
0xb6: {  	[sflag:s29] =	ssyncadd.s32 $0xFFFFFFFF  }
0xb7: {  	_ =	strace $0x90000048  }
0xb8: {  	_ =	sfence  }
0xb9: {  	s30 =	sld [smem:$0x0];
	_ =	sdelay $0x2  }
0xba: {  	s31 =	sshll.u32 s1, $0xD;
	s1 =	sshrl.u32 s1, $0x2  }
0xbb: {  	s3 =	sand.u32 $0x4000, s31;
	s1 =	sadd.s32 s1, s30  }
0xbc: {  	s0 =	sor.u32 s3, s0;
	s1 =	sshll.u32 s1, $0x11  }
0xbd: {  	s0 =	sor.u32 s1, s0  }
0xbe: {  	s0 =	sadd.s32 $0x8F2B, s0  }
0xbf: {  	[sflag:s0] =	ssyncadd.remote.s32 $0x1  }
0xc0: {  	_ =	sfence.sel $0xFFFF  }
0xc1: {  	[dreg:$0x0] =	wrdreg $0xFFFFFFFF;
	(pc) =	sbr.abs _section_cstart, $3  }
0xc2: {  	[dreg:$0x1] =	wrdreg $0xFFFFFFFF  }
0xc3: {  	_ =	task.clear_ibuf [dreg:s8], $0x2FFFF;
	_ =	strace $0x9FFFFFFF  }
0xc4: {  	(tm) =	ssettm $0x7FFFFFFF  }
0xc5: {  	_ =	shalt  }
tec
execute0_lowered:
.L_overlay_start_1:
0x0: {  	(tag) =	ssettag $0x1  }
0x1: {  	s0 =	srdreg.scid;
	s1 =	rddreg [dreg:$0x0]  }
0x2: {  	s8 =	stileid.u32;
	s2 =	rddreg [dreg:$0x1]  }
0x3: {  	s7 =	rddreg [dreg:$0x2];
	s11 =	simm.s32 $0x3;
	s12 =	simm.s32 $0xA00  }
0x4: {  	s18 =	simm.s32 $0x3A00;
	s19 =	simm.s32 $0x4200;
	s20 =	simm.s32 $0x4A00  }
0x5: {  	s21 =	simm.s32 $0x5200;
	s22 =	simm.s32 $0x5A00;
	s28 =	simm.s32 $0x8200  }
0x6: {  	s29 =	simm.s32 $0x8A00;
	s30 =	simm.s32 $0x9200;
	s31 =	simm.s32 $0x9A00  }
0x7: {  	s13 =	simm.s32 $0x1;
	s0 =	sand.u32 $0x1, s0;
	s3 =	sshll.u32 s8, $0x1  }
0x8: {  	s14 =	simm.s32 $0x2;
	s8 =	smul.u32 $0xC000, s8;
	s4 =	sor.u32 s0, s3  }
0x9: {  	s3 =	simm.s32 $0x0;
	s6 =	ssub.s32 $0x2, s0;
	s0 =	smul.u32 $0x6000, s0  }
0xa: {  	s16 =	simm.s32 $0x0;
	s5 =	smul.u32 $0x134, s4;
	[smem:$0x7FF] =	sst s3  }
0xb: {  	s4 =	smul.u32 $0xC00, s4;
	s23 =	sshrl.u32 s6, $0x1;
	_ =	strace $0x80000047  }
0xc: {  	s9 =	ssub.s32 s6, s23;
	s0 =	sadd.s32 s0, s8;
	s6 =	sadd.s32 $0x200, s2  }
0xd: {  	s23 =	simm.s32 $0x6200;
	s8 =	simm.s32 $0xC200;
	s1 =	sadd.s32 s5, s1  }
0xe: {  	s5 =	sadd.s32 $0x100, s2;
	s24 =	sadd.s32 s4, s7;
	s25 =	sadd.s32 $0xC0000, s0  }
0xf: {  	s26 =	smax.u32 s9, $0x1;
	s0 =	sshrl.u32 s0, $0x3;
	s4 =	simm.s32 $0xB200  }
.Ltmp0:
0x10: {  	s1 =	sadd.s32 $0x400, s1;
	[dreg:$0x6] =	wrdreg s26;
	(pc) =	sbr.rel .LBB2_1-.Ltmp0, $4  }
0x11: {  	s10 =	sadd.s32 s0, s7;
	s26 =	simm.s32 $0x7A00;
	s0 =	simm.s32 $0xAA00  }
0x12: {  	v2 =	vlaneseq.u32;
	[dreg:$0x4] =	wrdreg s1;
	s1 =	sadd.s32 $0x720000, s24;
	s24 =	simm.s32 $0x6A00  }
0x13: {  	vm0 =	vmmov $0xffff;
	v1 =	vshrl.u32 v2, $0x3;
	[dreg:$0x5] =	wrdreg s1;
	s1 =	sshrl.u32 s25, $0x3;
	s25 =	simm.s32 $0x7200  }
0x14: {  	v0 =	vand.u32 $0x7, v2;
	v2 =	vor.u32 $0x8, v2;
	v1 =	vmul.u32 $0x8, v1;
	s9 =	sadd.s32 s1, s7;
	s1 =	simm.s32 $0xA200;
	s7 =	simm.s32 $0xBA00  }
.LBB2_4:
0x15: {  	_ =	swait.ge [sflag:s13], $0x6000  }
0x16: {  	[sflag:s13] =	ssyncset.done $0x0  }
0x17: {  	s15 =	rddreg [dreg:$0x5];
	[sflag:s13] =	ssyncadd.s32 $0xFFFFA000  }
0x18: {  	[hbm4b:s15+s3] =	stream.linear.scatter [tilespmem:s12], [sflag:$0x3], $0x6000, $0x38;
	[tilespmem:$0xCA00] =	vst v63  }
0x19: {  	_ =	swait.ge [sflag:s11], $0x6000  }
0x1a: {  	s16 =	rddreg [dreg:$0x7]  }
0x1b: {  	s17 =	rddreg [dreg:$0x6];
	s16 =	sadd.s32 $0x1, s16  }
0x1c: {  	p0 =	sne.s32 s16, s17  }
.Ltmp1:
0x1d: {  	_ = 	snop;
	(pc) =	sbr.rel @!p0 .LBB2_5-.Ltmp1, $3  }
0x1e: {  	_ =	sdelay $0x1  }
0x1f: {  	[sflag:s11] =	ssyncset.done $0x0  }
0x20: {  	[sflag:s11] =	ssyncadd.s32 $0xFFFFA000  }
.LBB2_1:
0x21: {  	[dreg:$0x7] =	wrdreg s16  }
0x22: {  	s15 =	rddreg [dreg:$0x4]  }
0x23: {  	[tilespmem:s3], [sflag:$0x3] =	stream.linear.gather [hbm4b:s15+s3], $0x9A0, $0x38;
	[tilespmem:$0xCA00] =	vst v63  }
0x24: {  	_ =	swait.ge [sflag:s11], $0x9A0  }
0x25: {  	[sflag:s11] =	ssyncset.done $0x0  }
0x26: {  	[sflag:s11] =	ssyncadd.s32 $0xFFFFF660  }
0x27: {  	v3 =	vld [tilespmem:$0x0];
	_ =	sdelay $0x4  }
0x28: {  	v4 =	vshrl.u32 v3, $0x3  }
0x29: {  	v4 =	vmul.u32 $0x30, v4  }
0x2a: {  	v3 =	vand.u32 $0x7, v3  }
0x2b: {  	v3 =	vor.u32 v3, v4  }
0x2c: {  	v4 =	vperm.xlane v3, v0;
	_ =	sdelay $0x1  }
0x2d: {  	v4 =	vadd.s32 v1, v4;
	_ =	sdelay $0x3  }
0x2e: {  	v3 =	vperm.xlane v3, v2  }
0x2f: {  	[tilespmem:s12], [sflag:$0x1] =	stream.indirect_vreg.gather [hbm4b:s2+s3], $0x80, v4, vm0, $0xb8;
	[tilespmem:$0xCA00] =	vst v63  }
0x30: {  	s17 =	simm.s32 $0x1200;
	v3 =	vadd.s32 v1, v3  }
0x31: {  	[tilespmem:s17], [sflag:$0x1] =	stream.indirect_vreg.gather [hbm4b:s5+s3], $0x80, v4, vm0, $0xb8;
	[tilespmem:$0xCA00] =	vst v63  }
0x32: {  	s16 =	simm.s32 $0x1A00  }
0x33: {  	[tilespmem:s16], [sflag:$0x1] =	stream.indirect_vreg.gather [hbm4b:s6+s3], $0x80, v4, vm0, $0xb8;
	[tilespmem:$0xCA00] =	vst v63  }
0x34: {  	s17 =	simm.s32 $0x2200  }
0x35: {  	[tilespmem:s17], [sflag:$0x1] =	stream.indirect_vreg.gather [hbm4b:s2+s3], $0x80, v3, vm0, $0xb8;
	[tilespmem:$0xCA00] =	vst v63  }
0x36: {  	s16 =	simm.s32 $0x2A00  }
0x37: {  	[tilespmem:s16], [sflag:$0x1] =	stream.indirect_vreg.gather [hbm4b:s5+s3], $0x80, v3, vm0, $0xb8;
	[tilespmem:$0xCA00] =	vst v63  }
0x38: {  	s17 =	simm.s32 $0x3200  }
0x39: {  	[tilespmem:s17], [sflag:$0x1] =	stream.indirect_vreg.gather [hbm4b:s6+s3], $0x80, v3, vm0, $0xb8;
	[tilespmem:$0xCA00] =	vst v63  }
0x3a: {  	v3 =	vld [tilespmem:$0x10];
	_ =	sdelay $0x4  }
0x3b: {  	v61 =	vshrl.u32 v3, $0x3  }
0x3c: {  	v4 =	vmul.u32 $0x30, v61  }
0x3d: {  	v3 =	vand.u32 $0x7, v3  }
0x3e: {  	v3 =	vor.u32 v3, v4  }
0x3f: {  	v4 =	vperm.xlane v3, v0;
	_ =	sdelay $0x1  }
0x40: {  	v4 =	vadd.s32 v1, v4;
	_ =	sdelay $0x3  }
0x41: {  	v3 =	vperm.xlane v3, v2  }
0x42: {  	[tilespmem:s18], [sflag:$0x1] =	stream.indirect_vreg.gather [hbm4b:s2+s3], $0x80, v4, vm0, $0xb8;
	[tilespmem:$0xCA00] =	vst v63  }
0x43: {  	v3 =	vadd.s32 v1, v3  }
0x44: {  	[tilespmem:s19], [sflag:$0x1] =	stream.indirect_vreg.gather [hbm4b:s5+s3], $0x80, v4, vm0, $0xb8;
	[tilespmem:$0xCA00] =	vst v63  }
0x45: {  	_ = 	snop  }
0x46: {  	[tilespmem:s20], [sflag:$0x1] =	stream.indirect_vreg.gather [hbm4b:s6+s3], $0x80, v4, vm0, $0xb8;
	[tilespmem:$0xCA00] =	vst v63  }
0x47: {  	_ = 	snop  }
0x48: {  	[tilespmem:s21], [sflag:$0x1] =	stream.indirect_vreg.gather [hbm4b:s2+s3], $0x80, v3, vm0, $0xb8;
	[tilespmem:$0xCA00] =	vst v63  }
0x49: {  	_ = 	snop  }
0x4a: {  	[tilespmem:s22], [sflag:$0x1] =	stream.indirect_vreg.gather [hbm4b:s5+s3], $0x80, v3, vm0, $0xb8;
	[tilespmem:$0xCA00] =	vst v63  }
0x4b: {  	_ = 	snop  }
0x4c: {  	[tilespmem:s23], [sflag:$0x1] =	stream.indirect_vreg.gather [hbm4b:s6+s3], $0x80, v3, vm0, $0xb8;
	[tilespmem:$0xCA00] =	vst v63  }
0x4d: {  	v3 =	vld [tilespmem:$0x20];
	_ =	sdelay $0x4  }
0x4e: {  	v62 =	vshrl.u32 v3, $0x3  }
0x4f: {  	v4 =	vmul.u32 $0x30, v62  }
0x50: {  	v3 =	vand.u32 $0x7, v3  }
0x51: {  	v3 =	vor.u32 v3, v4  }
0x52: {  	v4 =	vperm.xlane v3, v0;
	_ =	sdelay $0x1  }
0x53: {  	v4 =	vadd.s32 v1, v4;
	_ =	sdelay $0x3  }
0x54: {  	v3 =	vperm.xlane v3, v2  }
0x55: {  	[tilespmem:s24], [sflag:$0x2] =	stream.indirect_vreg.gather [hbm4b:s2+s3], $0x80, v4, vm0, $0xb8;
	[tilespmem:$0xCA00] =	vst v63  }
0x56: {  	v3 =	vadd.s32 v1, v3  }
0x57: {  	[tilespmem:s25], [sflag:$0x2] =	stream.indirect_vreg.gather [hbm4b:s5+s3], $0x80, v4, vm0, $0xb8;
	[tilespmem:$0xCA00] =	vst v63  }
0x58: {  	_ = 	snop  }
0x59: {  	[tilespmem:s26], [sflag:$0x2] =	stream.indirect_vreg.gather [hbm4b:s6+s3], $0x80, v4, vm0, $0xb8;
	[tilespmem:$0xCA00] =	vst v63  }
0x5a: {  	_ = 	snop  }
0x5b: {  	[tilespmem:s28], [sflag:$0x2] =	stream.indirect_vreg.gather [hbm4b:s2+s3], $0x80, v3, vm0, $0xb8;
	[tilespmem:$0xCA00] =	vst v63  }
0x5c: {  	_ = 	snop  }
0x5d: {  	[tilespmem:s29], [sflag:$0x2] =	stream.indirect_vreg.gather [hbm4b:s5+s3], $0x80, v3, vm0, $0xb8;
	[tilespmem:$0xCA00] =	vst v63  }
0x5e: {  	_ = 	snop  }
0x5f: {  	[tilespmem:s30], [sflag:$0x2] =	stream.indirect_vreg.gather [hbm4b:s6+s3], $0x80, v3, vm0, $0xb8;
	[tilespmem:$0xCA00] =	vst v63  }
0x60: {  	v3 =	vld [tilespmem:$0x30];
	_ =	sdelay $0x4  }
0x61: {  	v63 =	vshrl.u32 v3, $0x3  }
0x62: {  	v4 =	vmul.u32 $0x30, v63  }
0x63: {  	v3 =	vand.u32 $0x7, v3  }
0x64: {  	v3 =	vor.u32 v3, v4  }
0x65: {  	v4 =	vperm.xlane v3, v0;
	_ =	sdelay $0x1  }
0x66: {  	v4 =	vadd.s32 v1, v4;
	_ =	sdelay $0x3  }
0x67: {  	v3 =	vperm.xlane v3, v2  }
0x68: {  	[tilespmem:s31], [sflag:$0x2] =	stream.indirect_vreg.gather [hbm4b:s2+s3], $0x80, v4, vm0, $0xb8;
	[tilespmem:$0xCA00] =	vst v63  }
0x69: {  	v3 =	vadd.s32 v1, v3  }
0x6a: {  	[tilespmem:s1], [sflag:$0x2] =	stream.indirect_vreg.gather [hbm4b:s5+s3], $0x80, v4, vm0, $0xb8;
	[tilespmem:$0xCA00] =	vst v63  }
0x6b: {  	_ = 	snop  }
0x6c: {  	[tilespmem:s0], [sflag:$0x2] =	stream.indirect_vreg.gather [hbm4b:s6+s3], $0x80, v4, vm0, $0xb8;
	[tilespmem:$0xCA00] =	vst v63  }
0x6d: {  	_ = 	snop  }
0x6e: {  	[tilespmem:s4], [sflag:$0x2] =	stream.indirect_vreg.gather [hbm4b:s2+s3], $0x80, v3, vm0, $0xb8;
	[tilespmem:$0xCA00] =	vst v63  }
0x6f: {  	_ = 	snop  }
0x70: {  	[tilespmem:s7], [sflag:$0x2] =	stream.indirect_vreg.gather [hbm4b:s5+s3], $0x80, v3, vm0, $0xb8;
	[tilespmem:$0xCA00] =	vst v63  }
0x71: {  	s15 =	simm.s32 $0x70;
	s16 =	simm.s32 $0x0  }
0x72: {  	[tilespmem:s8], [sflag:$0x2] =	stream.indirect_vreg.gather [hbm4b:s6+s3], $0x80, v3, vm0, $0xb8;
	[tilespmem:$0xCA00] =	vst v63  }
.LBB2_2:
0x73: {  	_ =	swait.ge [sflag:s13], $0x6000  }
0x74: {  	[sflag:s13] =	ssyncset.done $0x0  }
0x75: {  	s17 =	sadd.s32 s16, s10;
	[sflag:s13] =	ssyncadd.s32 $0xFFFFA000  }
0x76: {  	[hbm4b:s17+s3] =	stream.linear.scatter [tilespmem:s12], [sflag:$0x3], $0x6000, $0x38;
	[tilespmem:$0xCA00] =	vst v63  }
0x77: {  	_ =	swait.ge [sflag:s11], $0x6000  }
0x78: {  	[sflag:s11] =	ssyncset.done $0x0  }
0x79: {  	[sflag:s11] =	ssyncadd.s32 $0xFFFFA000  }
0x7a: {  	v3 =	vld [tilespmem:s15+$0xFFFFFFD0];
	_ =	sdelay $0x4  }
0x7b: {  	v4 =	vshrl.u32 v3, $0x3  }
0x7c: {  	v4 =	vmul.u32 $0x30, v4  }
0x7d: {  	v3 =	vand.u32 $0x7, v3  }
0x7e: {  	v3 =	vor.u32 v3, v4  }
0x7f: {  	v4 =	vperm.xlane v3, v0;
	_ =	sdelay $0x1  }
0x80: {  	v4 =	vadd.s32 v1, v4;
	_ =	sdelay $0x3  }
0x81: {  	v3 =	vperm.xlane v3, v2  }
0x82: {  	[tilespmem:s12], [sflag:$0x1] =	stream.indirect_vreg.gather [hbm4b:s2+s3], $0x80, v4, vm0, $0xb8;
	[tilespmem:$0xCA00] =	vst v63  }
0x83: {  	s17 =	simm.s32 $0x1200;
	v3 =	vadd.s32 v1, v3  }
0x84: {  	[tilespmem:s17], [sflag:$0x1] =	stream.indirect_vreg.gather [hbm4b:s5+s3], $0x80, v4, vm0, $0xb8;
	[tilespmem:$0xCA00] =	vst v63  }
0x85: {  	s17 =	simm.s32 $0x1A00  }
0x86: {  	[tilespmem:s17], [sflag:$0x1] =	stream.indirect_vreg.gather [hbm4b:s6+s3], $0x80, v4, vm0, $0xb8;
	[tilespmem:$0xCA00] =	vst v63  }
0x87: {  	s17 =	simm.s32 $0x2200  }
0x88: {  	[tilespmem:s17], [sflag:$0x1] =	stream.indirect_vreg.gather [hbm4b:s2+s3], $0x80, v3, vm0, $0xb8;
	[tilespmem:$0xCA00] =	vst v63  }
0x89: {  	s17 =	simm.s32 $0x2A00  }
0x8a: {  	[tilespmem:s17], [sflag:$0x1] =	stream.indirect_vreg.gather [hbm4b:s5+s3], $0x80, v3, vm0, $0xb8;
	[tilespmem:$0xCA00] =	vst v63  }
0x8b: {  	s17 =	simm.s32 $0x3200  }
0x8c: {  	[tilespmem:s17], [sflag:$0x1] =	stream.indirect_vreg.gather [hbm4b:s6+s3], $0x80, v3, vm0, $0xb8;
	[tilespmem:$0xCA00] =	vst v63  }
0x8d: {  	v3 =	vld [tilespmem:s15+$0xFFFFFFE0];
	_ =	sdelay $0x4  }
0x8e: {  	v63 =	vshrl.u32 v3, $0x3  }
0x8f: {  	v4 =	vmul.u32 $0x30, v63  }
0x90: {  	v3 =	vand.u32 $0x7, v3  }
0x91: {  	v3 =	vor.u32 v3, v4  }
0x92: {  	v4 =	vperm.xlane v3, v0;
	_ =	sdelay $0x1  }
0x93: {  	v4 =	vadd.s32 v1, v4;
	_ =	sdelay $0x3  }
0x94: {  	v3 =	vperm.xlane v3, v2  }
0x95: {  	[tilespmem:s18], [sflag:$0x1] =	stream.indirect_vreg.gather [hbm4b:s2+s3], $0x80, v4, vm0, $0xb8;
	[tilespmem:$0xCA00] =	vst v63  }
0x96: {  	v3 =	vadd.s32 v1, v3  }
0x97: {  	[tilespmem:s19], [sflag:$0x1] =	stream.indirect_vreg.gather [hbm4b:s5+s3], $0x80, v4, vm0, $0xb8;
	[tilespmem:$0xCA00] =	vst v63  }
0x98: {  	_ = 	snop  }
0x99: {  	[tilespmem:s20], [sflag:$0x1] =	stream.indirect_vreg.gather [hbm4b:s6+s3], $0x80, v4, vm0, $0xb8;
	[tilespmem:$0xCA00] =	vst v63  }
0x9a: {  	_ = 	snop  }
0x9b: {  	[tilespmem:s21], [sflag:$0x1] =	stream.indirect_vreg.gather [hbm4b:s2+s3], $0x80, v3, vm0, $0xb8;
	[tilespmem:$0xCA00] =	vst v63  }
0x9c: {  	_ = 	snop  }
0x9d: {  	[tilespmem:s22], [sflag:$0x1] =	stream.indirect_vreg.gather [hbm4b:s5+s3], $0x80, v3, vm0, $0xb8;
	[tilespmem:$0xCA00] =	vst v63  }
0x9e: {  	_ = 	snop  }
0x9f: {  	[tilespmem:s23], [sflag:$0x1] =	stream.indirect_vreg.gather [hbm4b:s6+s3], $0x80, v3, vm0, $0xb8;
	[tilespmem:$0xCA00] =	vst v63  }
0xa0: {  	_ =	swait.ge [sflag:s14], $0x6000  }
0xa1: {  	p0 =	seq.s32 s16, $0x6F0000;
	[sflag:s14] =	ssyncset.done $0x0  }
.Ltmp2:
0xa2: {  	s17 =	sadd.s32 s16, s9;
	[sflag:s14] =	ssyncadd.s32 $0xFFFFA000;
	(pc) =	sbr.rel @p0 .LBB2_4-.Ltmp2, $4  }
0xa3: {  	[hbm4b:s17+s3] =	stream.linear.scatter [tilespmem:s24], [sflag:$0x3], $0x6000, $0x38;
	[tilespmem:$0xCA00] =	vst v63  }
0xa4: {  	_ =	swait.ge [sflag:s11], $0x6000  }
0xa5: {  	[sflag:s11] =	ssyncset.done $0x0  }
0xa6: {  	[sflag:s11] =	ssyncadd.s32 $0xFFFFA000  }
0xa7: {  	v3 =	vld [tilespmem:s15+$0xFFFFFFF0];
	_ =	sdelay $0x4  }
0xa8: {  	v4 =	vshrl.u32 v3, $0x3  }
0xa9: {  	v4 =	vmul.u32 $0x30, v4  }
0xaa: {  	v3 =	vand.u32 $0x7, v3  }
0xab: {  	v3 =	vor.u32 v3, v4  }
0xac: {  	v4 =	vperm.xlane v3, v0;
	_ =	sdelay $0x1  }
0xad: {  	v4 =	vadd.s32 v1, v4;
	_ =	sdelay $0x3  }
0xae: {  	v3 =	vperm.xlane v3, v2  }
0xaf: {  	[tilespmem:s24], [sflag:$0x2] =	stream.indirect_vreg.gather [hbm4b:s2+s3], $0x80, v4, vm0, $0xb8;
	[tilespmem:$0xCA00] =	vst v63  }
0xb0: {  	v3 =	vadd.s32 v1, v3  }
0xb1: {  	[tilespmem:s25], [sflag:$0x2] =	stream.indirect_vreg.gather [hbm4b:s5+s3], $0x80, v4, vm0, $0xb8;
	[tilespmem:$0xCA00] =	vst v63  }
0xb2: {  	_ = 	snop  }
0xb3: {  	[tilespmem:s26], [sflag:$0x2] =	stream.indirect_vreg.gather [hbm4b:s6+s3], $0x80, v4, vm0, $0xb8;
	[tilespmem:$0xCA00] =	vst v63  }
0xb4: {  	_ = 	snop  }
0xb5: {  	[tilespmem:s28], [sflag:$0x2] =	stream.indirect_vreg.gather [hbm4b:s2+s3], $0x80, v3, vm0, $0xb8;
	[tilespmem:$0xCA00] =	vst v63  }
0xb6: {  	_ = 	snop  }
0xb7: {  	[tilespmem:s29], [sflag:$0x2] =	stream.indirect_vreg.gather [hbm4b:s5+s3], $0x80, v3, vm0, $0xb8;
	[tilespmem:$0xCA00] =	vst v63  }
0xb8: {  	_ = 	snop  }
0xb9: {  	[tilespmem:s30], [sflag:$0x2] =	stream.indirect_vreg.gather [hbm4b:s6+s3], $0x80, v3, vm0, $0xb8;
	[tilespmem:$0xCA00] =	vst v63  }
0xba: {  	v3 =	vld [tilespmem:s15+$0x0];
	_ =	sdelay $0x4  }
0xbb: {  	v63 =	vshrl.u32 v3, $0x3  }
0xbc: {  	v4 =	vmul.u32 $0x30, v63  }
0xbd: {  	v3 =	vand.u32 $0x7, v3  }
0xbe: {  	v3 =	vor.u32 v3, v4  }
0xbf: {  	v4 =	vperm.xlane v3, v0;
	_ =	sdelay $0x1  }
0xc0: {  	v4 =	vadd.s32 v1, v4;
	_ =	sdelay $0x3  }
0xc1: {  	v3 =	vperm.xlane v3, v2  }
0xc2: {  	[tilespmem:s31], [sflag:$0x2] =	stream.indirect_vreg.gather [hbm4b:s2+s3], $0x80, v4, vm0, $0xb8;
	[tilespmem:$0xCA00] =	vst v63  }
0xc3: {  	v3 =	vadd.s32 v1, v3  }
0xc4: {  	[tilespmem:s1], [sflag:$0x2] =	stream.indirect_vreg.gather [hbm4b:s5+s3], $0x80, v4, vm0, $0xb8;
	[tilespmem:$0xCA00] =	vst v63  }
0xc5: {  	_ = 	snop  }
0xc6: {  	[tilespmem:s0], [sflag:$0x2] =	stream.indirect_vreg.gather [hbm4b:s6+s3], $0x80, v4, vm0, $0xb8;
	[tilespmem:$0xCA00] =	vst v63  }
0xc7: {  	_ = 	snop  }
0xc8: {  	[tilespmem:s4], [sflag:$0x2] =	stream.indirect_vreg.gather [hbm4b:s2+s3], $0x80, v3, vm0, $0xb8;
	[tilespmem:$0xCA00] =	vst v63  }
.Ltmp3:
0xc9: {  	_ = 	snop;
	(pc) =	sbr.rel .LBB2_2-.Ltmp3, $4  }
0xca: {  	_ = 	snop  }
0xcb: {  	[tilespmem:s7], [sflag:$0x2] =	stream.indirect_vreg.gather [hbm4b:s5+s3], $0x80, v3, vm0, $0xb8;
	[tilespmem:$0xCA00] =	vst v63  }
0xcc: {  	s16 =	sadd.s32 $0x30000, s16;
	s15 =	sadd.s32 $0x40, s15  }
0xcd: {  	[tilespmem:s8], [sflag:$0x2] =	stream.indirect_vreg.gather [hbm4b:s6+s3], $0x80, v3, vm0, $0xb8;
	[tilespmem:$0xCA00] =	vst v63  }
.LBB2_5:
0xce: {  	_ =	sfence.sel $0x180000  }
0xcf: {  	[bflag:$0x0] =	sbarrier.arrive $0xFFFF  }
0xd0: {  	_ =	strace $0x90000047  }
0xd1: {  	s0 =	stileid.u32;
	[bflag:$0x2] =	sbarrier.arrive $0xFFFF  }
0xd2: {  	p0 =	sne.s32 s0, $0x0;
	s0 =	rddreg [dreg:$0x3]  }
0xd3: {  	s0 =	sadd.s32 @!p0 $0x100000, s0  }
0xd4: {  	[sflag:s0] =	ssyncadd.tile.s32 @!p0 $0x1;
	_ =	shalt  }
.Lfunc_end2:
_tile_overlayer_lowered:
.L_overlay_start_2:
0xd5: {  	(tag) =	ssettag $0x2  }
0xd6: {  	s0 =	rddreg [dreg:$0x0];
	s2 =	stileid.u32  }
0xd7: {  	s1 =	rddreg [dreg:$0x1];
	p0 =	sne.s32 s2, $0x0  }
0xd8: {  	s3 =	rddreg [dreg:$0x2];
	[bflag:$0x3] =	sbarrier.arrive $0xFFFF;
	s2 =	simm.s32 @!p0 $0x1C03  }
0xd9: {  	[timem:s3], [sflag:s2] =	dma.local @!p0 [hbm:s0], s1  }
0xda: {  	s0 =	simm.s32 @!p0 $0x3  }
0xdb: {  	_ =	swait.ge @!p0 [sflag:s0], s1  }
0xdc: {  	s1 =	ssub.s32 @!p0 $0x0, s1;
	[sflag:s0] =	ssyncset.done @!p0 $0x0  }
0xdd: {  	[sflag:s0] =	ssyncadd.s32 @!p0 s1  }
0xde: {  	[bflag:$0x3] =	sbarrier.arrive $0xFFFF  }
0xdf: {  	_ =	shalt  }

</sc_bundles>
